<compile_context>
chip_gen: v7x
topology: tpu7x:2x2x1
jax: 0.10.2.dev20260603
libtpu: 0.0.44.dev20260713+nightly
codegen_flags: <defaults>
</compile_context>

<pallas_src>
import functools

import jax
import jax.numpy as jnp
from jax import lax
from jax.experimental import pallas as pl
from jax.experimental.pallas import tpu as pltpu
from jax.experimental.pallas import tpu_sc as plsc

N = 10000
E = 320000
D = 128

NC = 2
NS = 16
NW = NC * NS

K = 112
EPW = -(-E // NW)
EPW_PAD = -(-EPW // (2 * K)) * (2 * K)
CHUNKS = EPW_PAD // K
E_PAD = EPW_PAD * NW

ROWS_PER_TILE = 632
ACC_ROWS = NS * ROWS_PER_TILE


def _mm_body(h_ref, w_ref, norm_ref, o_ref):
    o_ref[...] = (
        jnp.dot(h_ref[...], w_ref[...], preferred_element_type=jnp.float32)
        * norm_ref[...]
    )


def _epilogue_body(p_ref, norm_ref, bias_ref, t_ref, o_ref):
    s = p_ref[0, :N] + p_ref[1, :N]
    o_ref[...] = jnp.maximum(s * norm_ref[...] * t_ref[0, 0] + bias_ref[...], 0.0)


def _scatter_body(hw, srcr, dstr, zeros, out,
                  src_v, dst_v, rows_v, acc, gsem):
    cid = lax.axis_index("c")
    sid = lax.axis_index("s")
    wid = cid * NS + sid

    r0 = sid * ROWS_PER_TILE
    pltpu.sync_copy(zeros, acc.at[pl.ds(r0, ROWS_PER_TILE)])

    pltpu.sync_copy(srcr.at[wid], src_v)
    pltpu.sync_copy(dstr.at[wid], dst_v)
    plsc.subcore_barrier()

    def gather_start(j, b):
        off = pl.multiple_of(j * K, 8)
        pltpu.async_copy(hw.at[src_v.at[pl.ds(off, K)]], rows_v.at[b],
                         gsem.at[b])

    def gather_wait(j, b):
        off = pl.multiple_of(j * K, 8)
        pltpu.make_async_copy(hw.at[src_v.at[pl.ds(off, K)]], rows_v.at[b],
                              gsem.at[b]).wait()

    gather_start(0, 0)
    gather_start(1, 1)

    def _step(it, carry):
        j = it * 2
        for b in range(2):
            gather_wait(j + b, b)
            offd = pl.multiple_of((j + b) * K, 8)
            pltpu.sync_copy(rows_v.at[b], acc.at[dst_v.at[pl.ds(offd, K)]],
                            add=True)
            gather_start(j + 2 + b, b)
        return carry

    lax.fori_loop(0, (CHUNKS - 2) // 2, _step, 0)

    for b in range(2):
        j = CHUNKS - 2 + b
        gather_wait(j, b)
        offd = pl.multiple_of(j * K, 8)
        pltpu.sync_copy(rows_v.at[b], acc.at[dst_v.at[pl.ds(offd, K)]],
                        add=True)

    plsc.subcore_barrier()

    pltpu.sync_copy(acc.at[pl.ds(r0, ROWS_PER_TILE)],
                    out.at[cid, pl.ds(r0, ROWS_PER_TILE)])


@functools.partial(jax.jit, static_argnums=())
def _scatter_call(hw, srcr, dstr, zeros):
    mesh = plsc.VectorSubcoreMesh(
        core_axis_name="c", subcore_axis_name="s", num_cores=NC, num_subcores=NS
    )
    return pl.kernel(
        _scatter_body,
        out_type=jax.ShapeDtypeStruct((NC, ACC_ROWS, D), jnp.float32),
        mesh=mesh,
        scratch_types=[
            pltpu.VMEM((EPW_PAD,), jnp.int32),
            pltpu.VMEM((EPW_PAD,), jnp.int32),
            pltpu.VMEM((2, K, D), jnp.float32),
            pltpu.VMEM_SHARED((ACC_ROWS, D), jnp.float32),
            pltpu.SemaphoreType.DMA((2,)),
        ],
    )(hw, srcr, dstr, zeros)


def kernel(t, h, edge_index, norm, weight, bias):
    hw = pl.pallas_call(
        _mm_body,
        out_shape=jax.ShapeDtypeStruct((N, D), jnp.float32),
    )(h, weight, norm)

    src = edge_index[0]
    dst = edge_index[1]
    pad = E_PAD - E
    srcr = jnp.pad(src, (0, pad)).reshape(NW, EPW_PAD)
    dstr = jnp.pad(dst, (0, pad), constant_values=N).reshape(NW, EPW_PAD)
    zeros = jnp.zeros((ROWS_PER_TILE, D), jnp.float32)

    parts = _scatter_call(hw, srcr, dstr, zeros)

    return pl.pallas_call(
        _epilogue_body,
        out_shape=jax.ShapeDtypeStruct((N, D), jnp.float32),
    )(parts, norm, bias, t.reshape(1, 1))

# --- scband reference (transcript-rebuilt; emitter-appended) ---
"""Pipeline reference for scband-gdelayer-old-39367670235152 (READ-ONLY COPY).

The authoritative reference and input builder live on the scoring server;
editing this copy changes nothing except your own understanding.
"""

import jax, jax.numpy as jnp
import numpy as np
import math

N = 10000
E = 320000
D_IN = 128
D_OUT = 128

def setup_inputs(seed: int = 0) -> dict:
    key = jax.random.key(seed)
    k1, k2, k3, k4, k5 = jax.random.split(key, 5)
    h = jax.random.normal(k1, (N, D_IN), dtype=jnp.float32)
    edge_index = jax.random.randint(k2, (2, E), 0, N, dtype=jnp.int32)
    # symmetric-normalization-style per-node scalar (norm = deg^{-1/2} in GCN); use uniform positive values
    norm = jax.random.uniform(k3, (N, 1), dtype=jnp.float32, minval=0.01, maxval=1.0)
    stdv = 1.0 / math.sqrt(D_OUT)
    weight = jax.random.uniform(k4, (D_IN, D_OUT), dtype=jnp.float32, minval=-stdv, maxval=stdv)
    bias = jax.random.uniform(k5, (D_OUT,), dtype=jnp.float32, minval=-stdv, maxval=stdv)
    t = jnp.ones((), dtype=jnp.float32)  # ODE time scalar
    return {"t": t, "h": h, "edge_index": edge_index, "norm": norm, "weight": weight, "bias": bias}

def reference(t, h, edge_index, norm, weight, bias):
    # dropout p=0.0 -> identity (eval-mode faithful)
    h = jnp.matmul(h, weight)
    h = h * norm
    # DGL update_all(copy_src -> sum): gather source features, scatter-add to destination nodes
    src = edge_index[0]
    dst = edge_index[1]
    msgs = jnp.take(h, src, axis=0)
    h = jax.ops.segment_sum(msgs, dst, num_segments=N)
    h = h * norm * t
    h = h + bias
    h = jax.nn.relu(h)
    return h

if __name__ == "__main__":
    import jax
    _d = setup_inputs()
    print(jax.jit(kernel)(*tuple(_d.values())))

</pallas_src>

<mosaic_0001>
#map = affine_map<(d0, d1) -> (0, 0)>
#map1 = affine_map<(d0, d1) -> (0, 0, 0)>
module attributes {stable_mosaic.version = 14 : i64} {
  func.func @_scatter_body(%arg0: i32, %arg1: i32, %arg2: memref<10000x128xf32, #tpu.memory_space<hbm>>, %arg3: memref<32x10080xi32, #tpu.memory_space<hbm>>, %arg4: memref<32x10080xi32, #tpu.memory_space<hbm>>, %arg5: memref<632x128xf32, #tpu.memory_space<hbm>>, %arg6: memref<2x10112x128xf32, #tpu.memory_space<hbm>>, %arg7: memref<10080xi32, #tpu.memory_space<vmem>>, %arg8: memref<10080xi32, #tpu.memory_space<vmem>>, %arg9: memref<2x112x128xf32, #tpu.memory_space<vmem>>, %arg10: memref<10112x128xf32, #tpu.memory_space<vmem_shared>>, %arg11: memref<2x!tpu.dma_semaphore, #tpu.memory_space<semaphore_mem>>) attributes {dimension_semantics = [#tpu.dimension_semantics<core_parallel>, #tpu.dimension_semantics<subcore_parallel>], iteration_bounds = array<i64: 2, 16>, scalar_prefetch = 0 : i64, scratch_operands = 5 : i64, tpu.core_type = #tpu.core_type<sc_vector_subcore>, window_params = [{transform_indices = #map}, {transform_indices = #map}, {transform_indices = #map}, {transform_indices = #map}, {transform_indices = #map1}]} {
    %mul3A = arith.constant 16 : i32
    %mul3A_0 = arith.muli %arg0, %mul3A : i32
    %add3A = arith.addi %mul3A_0, %arg1 : i32
    %mul3A_1 = arith.constant 632 : i32
    %mul3A_2 = arith.muli %arg1, %mul3A_1 : i32
    "tpu.region"() ({
      %run_scoped3A_67 = tpu.sem_alloc : memref<!tpu.dma_semaphore, #tpu.memory_space<semaphore_mem>>
      %dma_start3A_68 = arith.constant 0 : i32
      %dma_start3A_69 = tpu.memref_slice %arg10[%mul3A_2, %dma_start3A_68] : memref<10112x128xf32, #tpu.memory_space<vmem_shared>> -> memref<632x128xf32, #tpu.memory_space<vmem_shared>>
      tpu.enqueue_dma source(%arg5 : memref<632x128xf32, #tpu.memory_space<hbm>>) target(%dma_start3A_69 : memref<632x128xf32, #tpu.memory_space<vmem_shared>>) target_semaphore(%run_scoped3A_67 : memref<!tpu.dma_semaphore, #tpu.memory_space<semaphore_mem>>)
      %dma_wait3A_70 = arith.constant 0 : i32
      %dma_wait3A_71 = tpu.memref_slice %arg10[%mul3A_2, %dma_wait3A_70] : memref<10112x128xf32, #tpu.memory_space<vmem_shared>> -> memref<632x128xf32, #tpu.memory_space<vmem_shared>>
      tpu.wait_dma2 semaphore(%run_scoped3A_67 : memref<!tpu.dma_semaphore, #tpu.memory_space<semaphore_mem>>) src(%arg5 : memref<632x128xf32, #tpu.memory_space<hbm>>) dst(%dma_wait3A_71 : memref<632x128xf32, #tpu.memory_space<vmem_shared>>)
      tpu.yield
    }) : () -> ()
    "tpu.region"() ({
      %run_scoped3A_67 = tpu.sem_alloc : memref<!tpu.dma_semaphore, #tpu.memory_space<semaphore_mem>>
      %dma_start3A_68 = arith.constant 0 : i32
      %dma_start3A_69 = tpu.memref_slice %arg3[%add3A, %dma_start3A_68] : memref<32x10080xi32, #tpu.memory_space<hbm>> -> memref<1x10080xi32, #tpu.memory_space<hbm>>
      %dma_start3A_70 = tpu.memref_squeeze %dma_start3A_69 : memref<1x10080xi32, #tpu.memory_space<hbm>> -> memref<10080xi32, #tpu.memory_space<hbm>>
      %dma_start3A_71 = arith.constant 0 : i32
      %dma_start3A_72 = tpu.memref_slice %arg3[%add3A, %dma_start3A_71] : memref<32x10080xi32, #tpu.memory_space<hbm>> -> memref<1x10080xi32, #tpu.memory_space<hbm>>
      %dma_start3A_73 = tpu.memref_squeeze %dma_start3A_72 : memref<1x10080xi32, #tpu.memory_space<hbm>> -> memref<10080xi32, #tpu.memory_space<hbm>>
      tpu.enqueue_dma source(%dma_start3A_73 : memref<10080xi32, #tpu.memory_space<hbm>>) target(%arg7 : memref<10080xi32, #tpu.memory_space<vmem>>) target_semaphore(%run_scoped3A_67 : memref<!tpu.dma_semaphore, #tpu.memory_space<semaphore_mem>>)
      %dma_wait3A_74 = arith.constant 0 : i32
      %dma_wait3A_75 = tpu.memref_slice %arg3[%add3A, %dma_wait3A_74] : memref<32x10080xi32, #tpu.memory_space<hbm>> -> memref<1x10080xi32, #tpu.memory_space<hbm>>
      %dma_wait3A_76 = tpu.memref_squeeze %dma_wait3A_75 : memref<1x10080xi32, #tpu.memory_space<hbm>> -> memref<10080xi32, #tpu.memory_space<hbm>>
      %dma_wait3A_77 = arith.constant 0 : i32
      %dma_wait3A_78 = tpu.memref_slice %arg3[%add3A, %dma_wait3A_77] : memref<32x10080xi32, #tpu.memory_space<hbm>> -> memref<1x10080xi32, #tpu.memory_space<hbm>>
      %dma_wait3A_79 = tpu.memref_squeeze %dma_wait3A_78 : memref<1x10080xi32, #tpu.memory_space<hbm>> -> memref<10080xi32, #tpu.memory_space<hbm>>
      tpu.wait_dma2 semaphore(%run_scoped3A_67 : memref<!tpu.dma_semaphore, #tpu.memory_space<semaphore_mem>>) src(%dma_wait3A_79 : memref<10080xi32, #tpu.memory_space<hbm>>) dst(%arg7 : memref<10080xi32, #tpu.memory_space<vmem>>)
      tpu.yield
    }) : () -> ()
    "tpu.region"() ({
      %run_scoped3A_67 = tpu.sem_alloc : memref<!tpu.dma_semaphore, #tpu.memory_space<semaphore_mem>>
      %dma_start3A_68 = arith.constant 0 : i32
      %dma_start3A_69 = tpu.memref_slice %arg4[%add3A, %dma_start3A_68] : memref<32x10080xi32, #tpu.memory_space<hbm>> -> memref<1x10080xi32, #tpu.memory_space<hbm>>
      %dma_start3A_70 = tpu.memref_squeeze %dma_start3A_69 : memref<1x10080xi32, #tpu.memory_space<hbm>> -> memref<10080xi32, #tpu.memory_space<hbm>>
      %dma_start3A_71 = arith.constant 0 : i32
      %dma_start3A_72 = tpu.memref_slice %arg4[%add3A, %dma_start3A_71] : memref<32x10080xi32, #tpu.memory_space<hbm>> -> memref<1x10080xi32, #tpu.memory_space<hbm>>
      %dma_start3A_73 = tpu.memref_squeeze %dma_start3A_72 : memref<1x10080xi32, #tpu.memory_space<hbm>> -> memref<10080xi32, #tpu.memory_space<hbm>>
      tpu.enqueue_dma source(%dma_start3A_73 : memref<10080xi32, #tpu.memory_space<hbm>>) target(%arg8 : memref<10080xi32, #tpu.memory_space<vmem>>) target_semaphore(%run_scoped3A_67 : memref<!tpu.dma_semaphore, #tpu.memory_space<semaphore_mem>>)
      %dma_wait3A_74 = arith.constant 0 : i32
      %dma_wait3A_75 = tpu.memref_slice %arg4[%add3A, %dma_wait3A_74] : memref<32x10080xi32, #tpu.memory_space<hbm>> -> memref<1x10080xi32, #tpu.memory_space<hbm>>
      %dma_wait3A_76 = tpu.memref_squeeze %dma_wait3A_75 : memref<1x10080xi32, #tpu.memory_space<hbm>> -> memref<10080xi32, #tpu.memory_space<hbm>>
      %dma_wait3A_77 = arith.constant 0 : i32
      %dma_wait3A_78 = tpu.memref_slice %arg4[%add3A, %dma_wait3A_77] : memref<32x10080xi32, #tpu.memory_space<hbm>> -> memref<1x10080xi32, #tpu.memory_space<hbm>>
      %dma_wait3A_79 = tpu.memref_squeeze %dma_wait3A_78 : memref<1x10080xi32, #tpu.memory_space<hbm>> -> memref<10080xi32, #tpu.memory_space<hbm>>
      tpu.wait_dma2 semaphore(%run_scoped3A_67 : memref<!tpu.dma_semaphore, #tpu.memory_space<semaphore_mem>>) src(%dma_wait3A_79 : memref<10080xi32, #tpu.memory_space<hbm>>) dst(%arg8 : memref<10080xi32, #tpu.memory_space<vmem>>)
      tpu.yield
    }) : () -> ()
    %barrier3A = arith.constant 0 : index
    tpu.barrier barrier_id(%barrier3A)
    %multiple_of3A = arith.constant 0 : i32
    %multiple_of3A_3 = tpu.assume_multiple %multiple_of3A, 8 : i32
    %dma_start3A = arith.constant 0 : i32
    %dma_start3A_4 = arith.constant 0 : i32
    %dma_start3A_5 = arith.constant 0 : i32
    %dma_start3A_6 = arith.constant 0 : i32
    %dma_start3A_7 = tpu.memref_slice %arg9[%dma_start3A, %dma_start3A_5, %dma_start3A_6] : memref<2x112x128xf32, #tpu.memory_space<vmem>> -> memref<1x112x128xf32, #tpu.memory_space<vmem>>
    %dma_start3A_8 = tpu.memref_squeeze %dma_start3A_7 : memref<1x112x128xf32, #tpu.memory_space<vmem>> -> memref<112x128xf32, #tpu.memory_space<vmem>>
    %dma_start3A_9 = tpu.memref_slice %arg7[%multiple_of3A_3] : memref<10080xi32, #tpu.memory_space<vmem>> -> memref<112xi32, #tpu.memory_space<vmem>>
    %dma_start3A_10 = arith.constant 0 : i32
    %dma_start3A_11 = arith.constant 0 : i32
    %dma_start3A_12 = tpu.memref_slice %arg2[%dma_start3A_10, %dma_start3A_11] : memref<10000x128xf32, #tpu.memory_space<hbm>> -> memref<10000x128xf32, #tpu.memory_space<hbm>>
    %dma_start3A_13 = tpu.memref_slice %arg11[%dma_start3A_4] : memref<2x!tpu.dma_semaphore, #tpu.memory_space<semaphore_mem>> -> memref<1x!tpu.dma_semaphore, #tpu.memory_space<semaphore_mem>>
    %dma_start3A_14 = tpu.memref_squeeze %dma_start3A_13 : memref<1x!tpu.dma_semaphore, #tpu.memory_space<semaphore_mem>> -> memref<!tpu.dma_semaphore, #tpu.memory_space<semaphore_mem>>
    tpu.enqueue_indirect_dma source(%dma_start3A_12 : memref<10000x128xf32, #tpu.memory_space<hbm>>) target(%dma_start3A_8 : memref<112x128xf32, #tpu.memory_space<vmem>>) offsets(%dma_start3A_9 : memref<112xi32, #tpu.memory_space<vmem>>) semaphore(%dma_start3A_14 : memref<!tpu.dma_semaphore, #tpu.memory_space<semaphore_mem>>)
    %multiple_of3A_15 = arith.constant 112 : i32
    %multiple_of3A_16 = tpu.assume_multiple %multiple_of3A_15, 8 : i32
    %dma_start3A_17 = arith.constant 1 : i32
    %dma_start3A_18 = arith.constant 1 : i32
    %dma_start3A_19 = arith.constant 0 : i32
    %dma_start3A_20 = arith.constant 0 : i32
    %dma_start3A_21 = tpu.memref_slice %arg9[%dma_start3A_17, %dma_start3A_19, %dma_start3A_20] : memref<2x112x128xf32, #tpu.memory_space<vmem>> -> memref<1x112x128xf32, #tpu.memory_space<vmem>>
    %dma_start3A_22 = tpu.memref_squeeze %dma_start3A_21 : memref<1x112x128xf32, #tpu.memory_space<vmem>> -> memref<112x128xf32, #tpu.memory_space<vmem>>
    %dma_start3A_23 = tpu.memref_slice %arg7[%multiple_of3A_16] : memref<10080xi32, #tpu.memory_space<vmem>> -> memref<112xi32, #tpu.memory_space<vmem>>
    %dma_start3A_24 = arith.constant 0 : i32
    %dma_start3A_25 = arith.constant 0 : i32
    %dma_start3A_26 = tpu.memref_slice %arg2[%dma_start3A_24, %dma_start3A_25] : memref<10000x128xf32, #tpu.memory_space<hbm>> -> memref<10000x128xf32, #tpu.memory_space<hbm>>
    %dma_start3A_27 = tpu.memref_slice %arg11[%dma_start3A_18] : memref<2x!tpu.dma_semaphore, #tpu.memory_space<semaphore_mem>> -> memref<1x!tpu.dma_semaphore, #tpu.memory_space<semaphore_mem>>
    %dma_start3A_28 = tpu.memref_squeeze %dma_start3A_27 : memref<1x!tpu.dma_semaphore, #tpu.memory_space<semaphore_mem>> -> memref<!tpu.dma_semaphore, #tpu.memory_space<semaphore_mem>>
    tpu.enqueue_indirect_dma source(%dma_start3A_26 : memref<10000x128xf32, #tpu.memory_space<hbm>>) target(%dma_start3A_22 : memref<112x128xf32, #tpu.memory_space<vmem>>) offsets(%dma_start3A_23 : memref<112xi32, #tpu.memory_space<vmem>>) semaphore(%dma_start3A_28 : memref<!tpu.dma_semaphore, #tpu.memory_space<semaphore_mem>>)
    %scan3A = arith.constant 0 : i32
    %scan3A_29 = arith.constant 0 : i32
    %scan3A_30 = arith.constant 44 : i32
    %scan3A_31 = arith.addi %scan3A_29, %scan3A_30 : i32
    %scan3A_32 = arith.constant 1 : i32
    scf.for %scan3A_67 = %scan3A_29 to %scan3A_31 step %scan3A_32  : i32 {
      %mul3A_68 = arith.constant 2 : i32
      %mul3A_69 = arith.muli %scan3A_67, %mul3A_68 : i32
      %add3A_70 = arith.constant 0 : i32
      %add3A_71 = arith.addi %mul3A_69, %add3A_70 : i32
      %mul3A_72 = arith.constant 112 : i32
      %mul3A_73 = arith.muli %add3A_71, %mul3A_72 : i32
      %multiple_of3A_74 = tpu.assume_multiple %mul3A_73, 8 : i32
      %dma_wait3A_75 = arith.constant 0 : i32
      %dma_wait3A_76 = arith.constant 0 : i32
      %dma_wait3A_77 = arith.constant 0 : i32
      %dma_wait3A_78 = arith.constant 0 : i32
      %dma_wait3A_79 = tpu.memref_slice %arg9[%dma_wait3A_75, %dma_wait3A_77, %dma_wait3A_78] : memref<2x112x128xf32, #tpu.memory_space<vmem>> -> memref<1x112x128xf32, #tpu.memory_space<vmem>>
      %dma_wait3A_80 = tpu.memref_squeeze %dma_wait3A_79 : memref<1x112x128xf32, #tpu.memory_space<vmem>> -> memref<112x128xf32, #tpu.memory_space<vmem>>
      %dma_wait3A_81 = tpu.memref_slice %arg7[%multiple_of3A_74] : memref<10080xi32, #tpu.memory_space<vmem>> -> memref<112xi32, #tpu.memory_space<vmem>>
      %dma_wait3A_82 = arith.constant 0 : i32
      %dma_wait3A_83 = arith.constant 0 : i32
      %dma_wait3A_84 = tpu.memref_slice %arg2[%dma_wait3A_82, %dma_wait3A_83] : memref<10000x128xf32, #tpu.memory_space<hbm>> -> memref<10000x128xf32, #tpu.memory_space<hbm>>
      %dma_wait3A_85 = tpu.memref_slice %arg11[%dma_wait3A_76] : memref<2x!tpu.dma_semaphore, #tpu.memory_space<semaphore_mem>> -> memref<1x!tpu.dma_semaphore, #tpu.memory_space<semaphore_mem>>
      %dma_wait3A_86 = tpu.memref_squeeze %dma_wait3A_85 : memref<1x!tpu.dma_semaphore, #tpu.memory_space<semaphore_mem>> -> memref<!tpu.dma_semaphore, #tpu.memory_space<semaphore_mem>>
      tpu.wait_indirect_dma semaphore(%dma_wait3A_86 : memref<!tpu.dma_semaphore, #tpu.memory_space<semaphore_mem>>) src(%dma_wait3A_84 : memref<10000x128xf32, #tpu.memory_space<hbm>>) dst(%dma_wait3A_80 : memref<112x128xf32, #tpu.memory_space<vmem>>)
      %add3A_87 = arith.constant 0 : i32
      %add3A_88 = arith.addi %mul3A_69, %add3A_87 : i32
      %mul3A_89 = arith.constant 112 : i32
      %mul3A_90 = arith.muli %add3A_88, %mul3A_89 : i32
      %multiple_of3A_91 = tpu.assume_multiple %mul3A_90, 8 : i32
      %run_scoped3A_92 = arith.constant 0 : i32
      "tpu.region"() ({
        %run_scoped3A_154 = tpu.sem_alloc : memref<!tpu.dma_semaphore, #tpu.memory_space<semaphore_mem>>
        %dma_start3A_155 = arith.constant 0 : i32
        %dma_start3A_156 = arith.constant 0 : i32
        %dma_start3A_157 = tpu.memref_slice %arg9[%run_scoped3A_92, %dma_start3A_155, %dma_start3A_156] : memref<2x112x128xf32, #tpu.memory_space<vmem>> -> memref<1x112x128xf32, #tpu.memory_space<vmem>>
        %dma_start3A_158 = tpu.memref_squeeze %dma_start3A_157 : memref<1x112x128xf32, #tpu.memory_space<vmem>> -> memref<112x128xf32, #tpu.memory_space<vmem>>
        %dma_start3A_159 = tpu.memref_slice %arg8[%multiple_of3A_91] : memref<10080xi32, #tpu.memory_space<vmem>> -> memref<112xi32, #tpu.memory_space<vmem>>
        %dma_start3A_160 = arith.constant 0 : i32
        %dma_start3A_161 = arith.constant 0 : i32
        %dma_start3A_162 = tpu.memref_slice %arg10[%dma_start3A_160, %dma_start3A_161] : memref<10112x128xf32, #tpu.memory_space<vmem_shared>> -> memref<10112x128xf32, #tpu.memory_space<vmem_shared>>
        tpu.enqueue_indirect_dma source(%dma_start3A_158 : memref<112x128xf32, #tpu.memory_space<vmem>>) target(%dma_start3A_162 : memref<10112x128xf32, #tpu.memory_space<vmem_shared>>) offsets(%dma_start3A_159 : memref<112xi32, #tpu.memory_space<vmem>>) semaphore(%run_scoped3A_154 : memref<!tpu.dma_semaphore, #tpu.memory_space<semaphore_mem>>) {add = true}
        %dma_wait3A_163 = arith.constant 0 : i32
        %dma_wait3A_164 = arith.constant 0 : i32
        %dma_wait3A_165 = tpu.memref_slice %arg9[%run_scoped3A_92, %dma_wait3A_163, %dma_wait3A_164] : memref<2x112x128xf32, #tpu.memory_space<vmem>> -> memref<1x112x128xf32, #tpu.memory_space<vmem>>
        %dma_wait3A_166 = tpu.memref_squeeze %dma_wait3A_165 : memref<1x112x128xf32, #tpu.memory_space<vmem>> -> memref<112x128xf32, #tpu.memory_space<vmem>>
        %dma_wait3A_167 = tpu.memref_slice %arg8[%multiple_of3A_91] : memref<10080xi32, #tpu.memory_space<vmem>> -> memref<112xi32, #tpu.memory_space<vmem>>
        %dma_wait3A_168 = arith.constant 0 : i32
        %dma_wait3A_169 = arith.constant 0 : i32
        %dma_wait3A_170 = tpu.memref_slice %arg10[%dma_wait3A_168, %dma_wait3A_169] : memref<10112x128xf32, #tpu.memory_space<vmem_shared>> -> memref<10112x128xf32, #tpu.memory_space<vmem_shared>>
        tpu.wait_indirect_dma semaphore(%run_scoped3A_154 : memref<!tpu.dma_semaphore, #tpu.memory_space<semaphore_mem>>) src(%dma_wait3A_166 : memref<112x128xf32, #tpu.memory_space<vmem>>) dst(%dma_wait3A_170 : memref<10112x128xf32, #tpu.memory_space<vmem_shared>>)
        tpu.yield
      }) : () -> ()
      %add3A_93 = arith.constant 2 : i32
      %add3A_94 = arith.addi %mul3A_69, %add3A_93 : i32
      %add3A_95 = arith.constant 0 : i32
      %add3A_96 = arith.addi %add3A_94, %add3A_95 : i32
      %mul3A_97 = arith.constant 112 : i32
      %mul3A_98 = arith.muli %add3A_96, %mul3A_97 : i32
      %multiple_of3A_99 = tpu.assume_multiple %mul3A_98, 8 : i32
      %dma_start3A_100 = arith.constant 0 : i32
      %dma_start3A_101 = arith.constant 0 : i32
      %dma_start3A_102 = arith.constant 0 : i32
      %dma_start3A_103 = arith.constant 0 : i32
      %dma_start3A_104 = tpu.memref_slice %arg9[%dma_start3A_100, %dma_start3A_102, %dma_start3A_103] : memref<2x112x128xf32, #tpu.memory_space<vmem>> -> memref<1x112x128xf32, #tpu.memory_space<vmem>>
      %dma_start3A_105 = tpu.memref_squeeze %dma_start3A_104 : memref<1x112x128xf32, #tpu.memory_space<vmem>> -> memref<112x128xf32, #tpu.memory_space<vmem>>
      %dma_start3A_106 = tpu.memref_slice %arg7[%multiple_of3A_99] : memref<10080xi32, #tpu.memory_space<vmem>> -> memref<112xi32, #tpu.memory_space<vmem>>
      %dma_start3A_107 = arith.constant 0 : i32
      %dma_start3A_108 = arith.constant 0 : i32
      %dma_start3A_109 = tpu.memref_slice %arg2[%dma_start3A_107, %dma_start3A_108] : memref<10000x128xf32, #tpu.memory_space<hbm>> -> memref<10000x128xf32, #tpu.memory_space<hbm>>
      %dma_start3A_110 = tpu.memref_slice %arg11[%dma_start3A_101] : memref<2x!tpu.dma_semaphore, #tpu.memory_space<semaphore_mem>> -> memref<1x!tpu.dma_semaphore, #tpu.memory_space<semaphore_mem>>
      %dma_start3A_111 = tpu.memref_squeeze %dma_start3A_110 : memref<1x!tpu.dma_semaphore, #tpu.memory_space<semaphore_mem>> -> memref<!tpu.dma_semaphore, #tpu.memory_space<semaphore_mem>>
      tpu.enqueue_indirect_dma source(%dma_start3A_109 : memref<10000x128xf32, #tpu.memory_space<hbm>>) target(%dma_start3A_105 : memref<112x128xf32, #tpu.memory_space<vmem>>) offsets(%dma_start3A_106 : memref<112xi32, #tpu.memory_space<vmem>>) semaphore(%dma_start3A_111 : memref<!tpu.dma_semaphore, #tpu.memory_space<semaphore_mem>>)
      %add3A_112 = arith.constant 1 : i32
      %add3A_113 = arith.addi %mul3A_69, %add3A_112 : i32
      %mul3A_114 = arith.constant 112 : i32
      %mul3A_115 = arith.muli %add3A_113, %mul3A_114 : i32
      %multiple_of3A_116 = tpu.assume_multiple %mul3A_115, 8 : i32
      %dma_wait3A_117 = arith.constant 1 : i32
      %dma_wait3A_118 = arith.constant 1 : i32
      %dma_wait3A_119 = arith.constant 0 : i32
      %dma_wait3A_120 = arith.constant 0 : i32
      %dma_wait3A_121 = tpu.memref_slice %arg9[%dma_wait3A_117, %dma_wait3A_119, %dma_wait3A_120] : memref<2x112x128xf32, #tpu.memory_space<vmem>> -> memref<1x112x128xf32, #tpu.memory_space<vmem>>
      %dma_wait3A_122 = tpu.memref_squeeze %dma_wait3A_121 : memref<1x112x128xf32, #tpu.memory_space<vmem>> -> memref<112x128xf32, #tpu.memory_space<vmem>>
      %dma_wait3A_123 = tpu.memref_slice %arg7[%multiple_of3A_116] : memref<10080xi32, #tpu.memory_space<vmem>> -> memref<112xi32, #tpu.memory_space<vmem>>
      %dma_wait3A_124 = arith.constant 0 : i32
      %dma_wait3A_125 = arith.constant 0 : i32
      %dma_wait3A_126 = tpu.memref_slice %arg2[%dma_wait3A_124, %dma_wait3A_125] : memref<10000x128xf32, #tpu.memory_space<hbm>> -> memref<10000x128xf32, #tpu.memory_space<hbm>>
      %dma_wait3A_127 = tpu.memref_slice %arg11[%dma_wait3A_118] : memref<2x!tpu.dma_semaphore, #tpu.memory_space<semaphore_mem>> -> memref<1x!tpu.dma_semaphore, #tpu.memory_space<semaphore_mem>>
      %dma_wait3A_128 = tpu.memref_squeeze %dma_wait3A_127 : memref<1x!tpu.dma_semaphore, #tpu.memory_space<semaphore_mem>> -> memref<!tpu.dma_semaphore, #tpu.memory_space<semaphore_mem>>
      tpu.wait_indirect_dma semaphore(%dma_wait3A_128 : memref<!tpu.dma_semaphore, #tpu.memory_space<semaphore_mem>>) src(%dma_wait3A_126 : memref<10000x128xf32, #tpu.memory_space<hbm>>) dst(%dma_wait3A_122 : memref<112x128xf32, #tpu.memory_space<vmem>>)
      %add3A_129 = arith.constant 1 : i32
      %add3A_130 = arith.addi %mul3A_69, %add3A_129 : i32
      %mul3A_131 = arith.constant 112 : i32
      %mul3A_132 = arith.muli %add3A_130, %mul3A_131 : i32
      %multiple_of3A_133 = tpu.assume_multiple %mul3A_132, 8 : i32
      %run_scoped3A_134 = arith.constant 1 : i32
      "tpu.region"() ({
        %run_scoped3A_154 = tpu.sem_alloc : memref<!tpu.dma_semaphore, #tpu.memory_space<semaphore_mem>>
        %dma_start3A_155 = arith.constant 0 : i32
        %dma_start3A_156 = arith.constant 0 : i32
        %dma_start3A_157 = tpu.memref_slice %arg9[%run_scoped3A_134, %dma_start3A_155, %dma_start3A_156] : memref<2x112x128xf32, #tpu.memory_space<vmem>> -> memref<1x112x128xf32, #tpu.memory_space<vmem>>
        %dma_start3A_158 = tpu.memref_squeeze %dma_start3A_157 : memref<1x112x128xf32, #tpu.memory_space<vmem>> -> memref<112x128xf32, #tpu.memory_space<vmem>>
        %dma_start3A_159 = tpu.memref_slice %arg8[%multiple_of3A_133] : memref<10080xi32, #tpu.memory_space<vmem>> -> memref<112xi32, #tpu.memory_space<vmem>>
        %dma_start3A_160 = arith.constant 0 : i32
        %dma_start3A_161 = arith.constant 0 : i32
        %dma_start3A_162 = tpu.memref_slice %arg10[%dma_start3A_160, %dma_start3A_161] : memref<10112x128xf32, #tpu.memory_space<vmem_shared>> -> memref<10112x128xf32, #tpu.memory_space<vmem_shared>>
        tpu.enqueue_indirect_dma source(%dma_start3A_158 : memref<112x128xf32, #tpu.memory_space<vmem>>) target(%dma_start3A_162 : memref<10112x128xf32, #tpu.memory_space<vmem_shared>>) offsets(%dma_start3A_159 : memref<112xi32, #tpu.memory_space<vmem>>) semaphore(%run_scoped3A_154 : memref<!tpu.dma_semaphore, #tpu.memory_space<semaphore_mem>>) {add = true}
        %dma_wait3A_163 = arith.constant 0 : i32
        %dma_wait3A_164 = arith.constant 0 : i32
        %dma_wait3A_165 = tpu.memref_slice %arg9[%run_scoped3A_134, %dma_wait3A_163, %dma_wait3A_164] : memref<2x112x128xf32, #tpu.memory_space<vmem>> -> memref<1x112x128xf32, #tpu.memory_space<vmem>>
        %dma_wait3A_166 = tpu.memref_squeeze %dma_wait3A_165 : memref<1x112x128xf32, #tpu.memory_space<vmem>> -> memref<112x128xf32, #tpu.memory_space<vmem>>
        %dma_wait3A_167 = tpu.memref_slice %arg8[%multiple_of3A_133] : memref<10080xi32, #tpu.memory_space<vmem>> -> memref<112xi32, #tpu.memory_space<vmem>>
        %dma_wait3A_168 = arith.constant 0 : i32
        %dma_wait3A_169 = arith.constant 0 : i32
        %dma_wait3A_170 = tpu.memref_slice %arg10[%dma_wait3A_168, %dma_wait3A_169] : memref<10112x128xf32, #tpu.memory_space<vmem_shared>> -> memref<10112x128xf32, #tpu.memory_space<vmem_shared>>
        tpu.wait_indirect_dma semaphore(%run_scoped3A_154 : memref<!tpu.dma_semaphore, #tpu.memory_space<semaphore_mem>>) src(%dma_wait3A_166 : memref<112x128xf32, #tpu.memory_space<vmem>>) dst(%dma_wait3A_170 : memref<10112x128xf32, #tpu.memory_space<vmem_shared>>)
        tpu.yield
      }) : () -> ()
      %add3A_135 = arith.constant 2 : i32
      %add3A_136 = arith.addi %mul3A_69, %add3A_135 : i32
      %add3A_137 = arith.constant 1 : i32
      %add3A_138 = arith.addi %add3A_136, %add3A_137 : i32
      %mul3A_139 = arith.constant 112 : i32
      %mul3A_140 = arith.muli %add3A_138, %mul3A_139 : i32
      %multiple_of3A_141 = tpu.assume_multiple %mul3A_140, 8 : i32
      %dma_start3A_142 = arith.constant 1 : i32
      %dma_start3A_143 = arith.constant 1 : i32
      %dma_start3A_144 = arith.constant 0 : i32
      %dma_start3A_145 = arith.constant 0 : i32
      %dma_start3A_146 = tpu.memref_slice %arg9[%dma_start3A_142, %dma_start3A_144, %dma_start3A_145] : memref<2x112x128xf32, #tpu.memory_space<vmem>> -> memref<1x112x128xf32, #tpu.memory_space<vmem>>
      %dma_start3A_147 = tpu.memref_squeeze %dma_start3A_146 : memref<1x112x128xf32, #tpu.memory_space<vmem>> -> memref<112x128xf32, #tpu.memory_space<vmem>>
      %dma_start3A_148 = tpu.memref_slice %arg7[%multiple_of3A_141] : memref<10080xi32, #tpu.memory_space<vmem>> -> memref<112xi32, #tpu.memory_space<vmem>>
      %dma_start3A_149 = arith.constant 0 : i32
      %dma_start3A_150 = arith.constant 0 : i32
      %dma_start3A_151 = tpu.memref_slice %arg2[%dma_start3A_149, %dma_start3A_150] : memref<10000x128xf32, #tpu.memory_space<hbm>> -> memref<10000x128xf32, #tpu.memory_space<hbm>>
      %dma_start3A_152 = tpu.memref_slice %arg11[%dma_start3A_143] : memref<2x!tpu.dma_semaphore, #tpu.memory_space<semaphore_mem>> -> memref<1x!tpu.dma_semaphore, #tpu.memory_space<semaphore_mem>>
      %dma_start3A_153 = tpu.memref_squeeze %dma_start3A_152 : memref<1x!tpu.dma_semaphore, #tpu.memory_space<semaphore_mem>> -> memref<!tpu.dma_semaphore, #tpu.memory_space<semaphore_mem>>
      tpu.enqueue_indirect_dma source(%dma_start3A_151 : memref<10000x128xf32, #tpu.memory_space<hbm>>) target(%dma_start3A_147 : memref<112x128xf32, #tpu.memory_space<vmem>>) offsets(%dma_start3A_148 : memref<112xi32, #tpu.memory_space<vmem>>) semaphore(%dma_start3A_153 : memref<!tpu.dma_semaphore, #tpu.memory_space<semaphore_mem>>)
    }
    %scan3A_33 = arith.constant 44 : i32
    %multiple_of3A_34 = arith.constant 9856 : i32
    %multiple_of3A_35 = tpu.assume_multiple %multiple_of3A_34, 8 : i32
    %dma_wait3A = arith.constant 0 : i32
    %dma_wait3A_36 = arith.constant 0 : i32
    %dma_wait3A_37 = arith.constant 0 : i32
    %dma_wait3A_38 = arith.constant 0 : i32
    %dma_wait3A_39 = tpu.memref_slice %arg9[%dma_wait3A, %dma_wait3A_37, %dma_wait3A_38] : memref<2x112x128xf32, #tpu.memory_space<vmem>> -> memref<1x112x128xf32, #tpu.memory_space<vmem>>
    %dma_wait3A_40 = tpu.memref_squeeze %dma_wait3A_39 : memref<1x112x128xf32, #tpu.memory_space<vmem>> -> memref<112x128xf32, #tpu.memory_space<vmem>>
    %dma_wait3A_41 = tpu.memref_slice %arg7[%multiple_of3A_35] : memref<10080xi32, #tpu.memory_space<vmem>> -> memref<112xi32, #tpu.memory_space<vmem>>
    %dma_wait3A_42 = arith.constant 0 : i32
    %dma_wait3A_43 = arith.constant 0 : i32
    %dma_wait3A_44 = tpu.memref_slice %arg2[%dma_wait3A_42, %dma_wait3A_43] : memref<10000x128xf32, #tpu.memory_space<hbm>> -> memref<10000x128xf32, #tpu.memory_space<hbm>>
    %dma_wait3A_45 = tpu.memref_slice %arg11[%dma_wait3A_36] : memref<2x!tpu.dma_semaphore, #tpu.memory_space<semaphore_mem>> -> memref<1x!tpu.dma_semaphore, #tpu.memory_space<semaphore_mem>>
    %dma_wait3A_46 = tpu.memref_squeeze %dma_wait3A_45 : memref<1x!tpu.dma_semaphore, #tpu.memory_space<semaphore_mem>> -> memref<!tpu.dma_semaphore, #tpu.memory_space<semaphore_mem>>
    tpu.wait_indirect_dma semaphore(%dma_wait3A_46 : memref<!tpu.dma_semaphore, #tpu.memory_space<semaphore_mem>>) src(%dma_wait3A_44 : memref<10000x128xf32, #tpu.memory_space<hbm>>) dst(%dma_wait3A_40 : memref<112x128xf32, #tpu.memory_space<vmem>>)
    %multiple_of3A_47 = arith.constant 9856 : i32
    %multiple_of3A_48 = tpu.assume_multiple %multiple_of3A_47, 8 : i32
    %run_scoped3A = arith.constant 0 : i32
    "tpu.region"() ({
      %run_scoped3A_67 = tpu.sem_alloc : memref<!tpu.dma_semaphore, #tpu.memory_space<semaphore_mem>>
      %dma_start3A_68 = arith.constant 0 : i32
      %dma_start3A_69 = arith.constant 0 : i32
      %dma_start3A_70 = tpu.memref_slice %arg9[%run_scoped3A, %dma_start3A_68, %dma_start3A_69] : memref<2x112x128xf32, #tpu.memory_space<vmem>> -> memref<1x112x128xf32, #tpu.memory_space<vmem>>
      %dma_start3A_71 = tpu.memref_squeeze %dma_start3A_70 : memref<1x112x128xf32, #tpu.memory_space<vmem>> -> memref<112x128xf32, #tpu.memory_space<vmem>>
      %dma_start3A_72 = tpu.memref_slice %arg8[%multiple_of3A_48] : memref<10080xi32, #tpu.memory_space<vmem>> -> memref<112xi32, #tpu.memory_space<vmem>>
      %dma_start3A_73 = arith.constant 0 : i32
      %dma_start3A_74 = arith.constant 0 : i32
      %dma_start3A_75 = tpu.memref_slice %arg10[%dma_start3A_73, %dma_start3A_74] : memref<10112x128xf32, #tpu.memory_space<vmem_shared>> -> memref<10112x128xf32, #tpu.memory_space<vmem_shared>>
      tpu.enqueue_indirect_dma source(%dma_start3A_71 : memref<112x128xf32, #tpu.memory_space<vmem>>) target(%dma_start3A_75 : memref<10112x128xf32, #tpu.memory_space<vmem_shared>>) offsets(%dma_start3A_72 : memref<112xi32, #tpu.memory_space<vmem>>) semaphore(%run_scoped3A_67 : memref<!tpu.dma_semaphore, #tpu.memory_space<semaphore_mem>>) {add = true}
      %dma_wait3A_76 = arith.constant 0 : i32
      %dma_wait3A_77 = arith.constant 0 : i32
      %dma_wait3A_78 = tpu.memref_slice %arg9[%run_scoped3A, %dma_wait3A_76, %dma_wait3A_77] : memref<2x112x128xf32, #tpu.memory_space<vmem>> -> memref<1x112x128xf32, #tpu.memory_space<vmem>>
      %dma_wait3A_79 = tpu.memref_squeeze %dma_wait3A_78 : memref<1x112x128xf32, #tpu.memory_space<vmem>> -> memref<112x128xf32, #tpu.memory_space<vmem>>
      %dma_wait3A_80 = tpu.memref_slice %arg8[%multiple_of3A_48] : memref<10080xi32, #tpu.memory_space<vmem>> -> memref<112xi32, #tpu.memory_space<vmem>>
      %dma_wait3A_81 = arith.constant 0 : i32
      %dma_wait3A_82 = arith.constant 0 : i32
      %dma_wait3A_83 = tpu.memref_slice %arg10[%dma_wait3A_81, %dma_wait3A_82] : memref<10112x128xf32, #tpu.memory_space<vmem_shared>> -> memref<10112x128xf32, #tpu.memory_space<vmem_shared>>
      tpu.wait_indirect_dma semaphore(%run_scoped3A_67 : memref<!tpu.dma_semaphore, #tpu.memory_space<semaphore_mem>>) src(%dma_wait3A_79 : memref<112x128xf32, #tpu.memory_space<vmem>>) dst(%dma_wait3A_83 : memref<10112x128xf32, #tpu.memory_space<vmem_shared>>)
      tpu.yield
    }) : () -> ()
    %multiple_of3A_49 = arith.constant 9968 : i32
    %multiple_of3A_50 = tpu.assume_multiple %multiple_of3A_49, 8 : i32
    %dma_wait3A_51 = arith.constant 1 : i32
    %dma_wait3A_52 = arith.constant 1 : i32
    %dma_wait3A_53 = arith.constant 0 : i32
    %dma_wait3A_54 = arith.constant 0 : i32
    %dma_wait3A_55 = tpu.memref_slice %arg9[%dma_wait3A_51, %dma_wait3A_53, %dma_wait3A_54] : memref<2x112x128xf32, #tpu.memory_space<vmem>> -> memref<1x112x128xf32, #tpu.memory_space<vmem>>
    %dma_wait3A_56 = tpu.memref_squeeze %dma_wait3A_55 : memref<1x112x128xf32, #tpu.memory_space<vmem>> -> memref<112x128xf32, #tpu.memory_space<vmem>>
    %dma_wait3A_57 = tpu.memref_slice %arg7[%multiple_of3A_50] : memref<10080xi32, #tpu.memory_space<vmem>> -> memref<112xi32, #tpu.memory_space<vmem>>
    %dma_wait3A_58 = arith.constant 0 : i32
    %dma_wait3A_59 = arith.constant 0 : i32
    %dma_wait3A_60 = tpu.memref_slice %arg2[%dma_wait3A_58, %dma_wait3A_59] : memref<10000x128xf32, #tpu.memory_space<hbm>> -> memref<10000x128xf32, #tpu.memory_space<hbm>>
    %dma_wait3A_61 = tpu.memref_slice %arg11[%dma_wait3A_52] : memref<2x!tpu.dma_semaphore, #tpu.memory_space<semaphore_mem>> -> memref<1x!tpu.dma_semaphore, #tpu.memory_space<semaphore_mem>>
    %dma_wait3A_62 = tpu.memref_squeeze %dma_wait3A_61 : memref<1x!tpu.dma_semaphore, #tpu.memory_space<semaphore_mem>> -> memref<!tpu.dma_semaphore, #tpu.memory_space<semaphore_mem>>
    tpu.wait_indirect_dma semaphore(%dma_wait3A_62 : memref<!tpu.dma_semaphore, #tpu.memory_space<semaphore_mem>>) src(%dma_wait3A_60 : memref<10000x128xf32, #tpu.memory_space<hbm>>) dst(%dma_wait3A_56 : memref<112x128xf32, #tpu.memory_space<vmem>>)
    %multiple_of3A_63 = arith.constant 9968 : i32
    %multiple_of3A_64 = tpu.assume_multiple %multiple_of3A_63, 8 : i32
    %run_scoped3A_65 = arith.constant 1 : i32
    "tpu.region"() ({
      %run_scoped3A_67 = tpu.sem_alloc : memref<!tpu.dma_semaphore, #tpu.memory_space<semaphore_mem>>
      %dma_start3A_68 = arith.constant 0 : i32
      %dma_start3A_69 = arith.constant 0 : i32
      %dma_start3A_70 = tpu.memref_slice %arg9[%run_scoped3A_65, %dma_start3A_68, %dma_start3A_69] : memref<2x112x128xf32, #tpu.memory_space<vmem>> -> memref<1x112x128xf32, #tpu.memory_space<vmem>>
      %dma_start3A_71 = tpu.memref_squeeze %dma_start3A_70 : memref<1x112x128xf32, #tpu.memory_space<vmem>> -> memref<112x128xf32, #tpu.memory_space<vmem>>
      %dma_start3A_72 = tpu.memref_slice %arg8[%multiple_of3A_64] : memref<10080xi32, #tpu.memory_space<vmem>> -> memref<112xi32, #tpu.memory_space<vmem>>
      %dma_start3A_73 = arith.constant 0 : i32
      %dma_start3A_74 = arith.constant 0 : i32
      %dma_start3A_75 = tpu.memref_slice %arg10[%dma_start3A_73, %dma_start3A_74] : memref<10112x128xf32, #tpu.memory_space<vmem_shared>> -> memref<10112x128xf32, #tpu.memory_space<vmem_shared>>
      tpu.enqueue_indirect_dma source(%dma_start3A_71 : memref<112x128xf32, #tpu.memory_space<vmem>>) target(%dma_start3A_75 : memref<10112x128xf32, #tpu.memory_space<vmem_shared>>) offsets(%dma_start3A_72 : memref<112xi32, #tpu.memory_space<vmem>>) semaphore(%run_scoped3A_67 : memref<!tpu.dma_semaphore, #tpu.memory_space<semaphore_mem>>) {add = true}
      %dma_wait3A_76 = arith.constant 0 : i32
      %dma_wait3A_77 = arith.constant 0 : i32
      %dma_wait3A_78 = tpu.memref_slice %arg9[%run_scoped3A_65, %dma_wait3A_76, %dma_wait3A_77] : memref<2x112x128xf32, #tpu.memory_space<vmem>> -> memref<1x112x128xf32, #tpu.memory_space<vmem>>
      %dma_wait3A_79 = tpu.memref_squeeze %dma_wait3A_78 : memref<1x112x128xf32, #tpu.memory_space<vmem>> -> memref<112x128xf32, #tpu.memory_space<vmem>>
      %dma_wait3A_80 = tpu.memref_slice %arg8[%multiple_of3A_64] : memref<10080xi32, #tpu.memory_space<vmem>> -> memref<112xi32, #tpu.memory_space<vmem>>
      %dma_wait3A_81 = arith.constant 0 : i32
      %dma_wait3A_82 = arith.constant 0 : i32
      %dma_wait3A_83 = tpu.memref_slice %arg10[%dma_wait3A_81, %dma_wait3A_82] : memref<10112x128xf32, #tpu.memory_space<vmem_shared>> -> memref<10112x128xf32, #tpu.memory_space<vmem_shared>>
      tpu.wait_indirect_dma semaphore(%run_scoped3A_67 : memref<!tpu.dma_semaphore, #tpu.memory_space<semaphore_mem>>) src(%dma_wait3A_79 : memref<112x128xf32, #tpu.memory_space<vmem>>) dst(%dma_wait3A_83 : memref<10112x128xf32, #tpu.memory_space<vmem_shared>>)
      tpu.yield
    }) : () -> ()
    %barrier3A_66 = arith.constant 0 : index
    tpu.barrier barrier_id(%barrier3A_66)
    "tpu.region"() ({
      %run_scoped3A_67 = tpu.sem_alloc : memref<!tpu.dma_semaphore, #tpu.memory_space<semaphore_mem>>
      %dma_start3A_68 = arith.constant 0 : i32
      %dma_start3A_69 = tpu.memref_slice %arg6[%arg0, %mul3A_2, %dma_start3A_68] : memref<2x10112x128xf32, #tpu.memory_space<hbm>> -> memref<1x632x128xf32, #tpu.memory_space<hbm>>
      %dma_start3A_70 = tpu.memref_squeeze %dma_start3A_69 : memref<1x632x128xf32, #tpu.memory_space<hbm>> -> memref<632x128xf32, #tpu.memory_space<hbm>>
      %dma_start3A_71 = arith.constant 0 : i32
      %dma_start3A_72 = tpu.memref_slice %arg10[%mul3A_2, %dma_start3A_71] : memref<10112x128xf32, #tpu.memory_space<vmem_shared>> -> memref<632x128xf32, #tpu.memory_space<vmem_shared>>
      tpu.enqueue_dma source(%dma_start3A_72 : memref<632x128xf32, #tpu.memory_space<vmem_shared>>) target(%dma_start3A_70 : memref<632x128xf32, #tpu.memory_space<hbm>>) target_semaphore(%run_scoped3A_67 : memref<!tpu.dma_semaphore, #tpu.memory_space<semaphore_mem>>)
      %dma_wait3A_73 = arith.constant 0 : i32
      %dma_wait3A_74 = tpu.memref_slice %arg6[%arg0, %mul3A_2, %dma_wait3A_73] : memref<2x10112x128xf32, #tpu.memory_space<hbm>> -> memref<1x632x128xf32, #tpu.memory_space<hbm>>
      %dma_wait3A_75 = tpu.memref_squeeze %dma_wait3A_74 : memref<1x632x128xf32, #tpu.memory_space<hbm>> -> memref<632x128xf32, #tpu.memory_space<hbm>>
      %dma_wait3A_76 = arith.constant 0 : i32
      %dma_wait3A_77 = tpu.memref_slice %arg10[%mul3A_2, %dma_wait3A_76] : memref<10112x128xf32, #tpu.memory_space<vmem_shared>> -> memref<632x128xf32, #tpu.memory_space<vmem_shared>>
      tpu.wait_dma2 semaphore(%run_scoped3A_67 : memref<!tpu.dma_semaphore, #tpu.memory_space<semaphore_mem>>) src(%dma_wait3A_77 : memref<632x128xf32, #tpu.memory_space<vmem_shared>>) dst(%dma_wait3A_75 : memref<632x128xf32, #tpu.memory_space<hbm>>)
      tpu.yield
    }) : () -> ()
    return
  }
}

</mosaic_0001>

<sc_bundles>
// kernel: _scatter_call.3.cloned.1.call-start
scs
__scs_entry_jumppad:
0x0: {  	(pc) =	sbr.rel $0x88, $3  }
0x1: {  	(tag) =	ssettag $0x0;
	lr =	simm.s32 $0x1  }
0x2: {  	[smem:$0x3F9D] =	sst lr;
	_ =	strace $0xD0000000  }
0x3: {  	_ = 	snop  }
0x4: {  	_ = 	snop  }
0x5: {  	_ = 	snop  }
0x6: {  	_ = 	snop  }
0x7: {  	_ = 	snop  }
__scs_overlays_trampoline_lowered:
0x8: {  	[smem:$0x3FAC] =	sst s0  }
0x9: {  	[smem:$0x3FAD] =	sst s1  }
0xa: {  	[smem:$0x3FAE] =	sst s2  }
0xb: {  	[smem:$0x3FAF] =	sst s3  }
0xc: {  	[smem:$0x3FB0] =	sst s4  }
0xd: {  	[smem:$0x3FB1] =	sst s5  }
0xe: {  	[smem:$0x3FB2] =	sst s6  }
0xf: {  	[smem:$0x3FB3] =	sst s7  }
0x10: {  	[smem:$0x3FB4] =	sst s8  }
0x11: {  	[smem:$0x3FB5] =	sst s9;
	s0 =	simm.s32 @!p0 $0x0  }
0x12: {  	s1 =	sld [smem:$0x3F9B];
	s0 =	simm.s32 @p0 $0x1  }
0x13: {  	[smem:$0x3FB6] =	sst s0;
	s0 =	simm.s32 @!p1 $0x0  }
0x14: {  	s2 =	sld [smem:$0x3F9A];
	s0 =	simm.s32 @p1 $0x1  }
0x15: {  	[smem:$0x3FB7] =	sst s0;
	s0 =	simm.s32 @!p2 $0x0  }
0x16: {  	s3 =	sld [smem:$0x3FDB];
	s0 =	simm.s32 @p2 $0x1  }
0x17: {  	s4 =	simm.s32 $0x1BF5;
	[smem:$0x3FB9] =	sst s0  }
0x18: {  	s0 =	sld [smem:$0x3F9C];
	_ =	swait.ge [sflag:s4], $0x0  }
0x19: {  	s7 =	sld [smem:$0x3F9D]  }
0x1a: {  	s8 =	sadd.s32 $0xFFFFE003, lr  }
0x1b: {  	s9 =	sadd.s32 $0xFFFFFEF7, lr;
	s5 =	simm.s32 $0xFFFFFFFF;
	p2 =	slt.u32 s8, $0xFFFFF086  }
0x1c: {  	p1 =	slt.u32 s9, $0xF7A;
	s5 =	simm.s32 @!p2 $0x0  }
0x1d: {  	s5 =	simm.s32 @p1 $0x1;
	p0 =	seq.s32 s7, s2  }
0x1e: {  	s7 =	smul.u32 @!p0 $0xF7A, s2;
	p2 =	seq.s32 @!p0 s5, $0x0  }
0x1f: {  	s9 =	smul.u32 $0xF7A, s1;
	s8 =	simm.s32 @!p0 $0x1BF5;
	p2 =	por !p2, p0  }
0x20: {  	[sflag:s8] =	ssyncset.s32 @!p0 $0xFFFFF086;
	s6 =	sadd.s32 @!p0 s3, s7;
	s7 =	simm.s32 @!p0 $0x108  }
0x21: {  	s3 =	sadd.s32 s3, s9;
	s6 =	sadd.s32 @!p0 $0x88, s6;
	s7 =	simm.s32 @p2 $0x1082  }
0x22: {  	[simem:s7], [sflag:s8] =	dma.local @!p0 [hbm:s6], $0xF7A  }
0x23: {  	s9 =	sor.u32 $0xD0000000, s2;
	s6 =	simm.s32 $0x108;
	_ =	swait.ge @!p0 [sflag:s8], $0x0  }
0x24: {  	s3 =	sadd.s32 $0x88, s3;
	s6 =	simm.s32 @!p1 $0x1082;
	[sflag:s4] =	ssyncset.s32 $0xFFFFF086  }
0x25: {  	[simem:s6], [sflag:s4] =	dma.local [hbm:s3], $0xF7A  }
0x26: {  	[smem:$0x3F9D] =	sst s1;
	(tag) =	ssettag s2;
	_ =	strace s9  }
0x27: {  	s1 =	sld [smem:$0x3FAD]  }
0x28: {  	s2 =	sld [smem:$0x3FAE]  }
0x29: {  	s4 =	sld [smem:$0x3FB0]  }
0x2a: {  	p0 =	seq.s32 s5, $0x0;
	s5 =	sld [smem:$0x3FB1]  }
0x2b: {  	s6 =	sld [smem:$0x3FB2]  }
0x2c: {  	s7 =	sld [smem:$0x3FB3]  }
0x2d: {  	s3 =	simm.s32 $0x108;
	s8 =	sld [smem:$0x3FB4]  }
0x2e: {  	s3 =	simm.s32 @!p0 $0x1082;
	s9 =	sld [smem:$0x3FB5]  }
0x2f: {  	lr =	sadd.s32 s0, s3;
	s0 =	sld [smem:$0x3FAC]  }
0x30: {  	s3 =	sld [smem:$0x3FAF]  }
0x31: {  	[smem:$0x3FB8] =	sst s10  }
0x32: {  	s10 =	sld [smem:$0x3FB6];
	_ =	sdelay $0x3  }
0x33: {  	p0 =	seq.s32 s10, $0x1;
	s10 =	sld [smem:$0x3FB8];
	_ =	sdelay $0x3  }
0x34: {  	[smem:$0x3FB8] =	sst s10  }
0x35: {  	s10 =	sld [smem:$0x3FB7];
	_ =	sdelay $0x3  }
0x36: {  	p1 =	seq.s32 s10, $0x1;
	s10 =	sld [smem:$0x3FB8];
	_ =	sdelay $0x3  }
0x37: {  	[smem:$0x3FB8] =	sst s10  }
0x38: {  	s10 =	sld [smem:$0x3FB9]  }
0x39: {  	_ = 	snop;
	(pc) =	sbr.ind lr, $3  }
0x3a: {  	_ = 	snop  }
0x3b: {  	_ = 	snop  }
0x3c: {  	p2 =	seq.s32 s10, $0x1;
	s10 =	sld [smem:$0x3FB8]  }
0x3d: {  	_ =	shalt  }
0x3e: {  	_ =	shalt  }
0x3f: {  	_ =	shalt  }
0x40: {  	_ =	shalt  }
0x41: {  	_ =	shalt  }
0x42: {  	_ =	shalt  }
0x43: {  	_ =	shalt  }
0x44: {  	_ =	shalt  }
0x45: {  	_ =	shalt  }
0x46: {  	_ =	shalt  }
0x47: {  	_ =	shalt  }
0x48: {  	_ =	shalt  }
0x49: {  	_ =	shalt  }
0x4a: {  	_ =	shalt  }
0x4b: {  	_ =	shalt  }
0x4c: {  	_ =	shalt  }
0x4d: {  	_ =	shalt  }
0x4e: {  	_ =	shalt  }
0x4f: {  	_ =	shalt  }
0x50: {  	_ =	shalt  }
0x51: {  	_ =	shalt  }
0x52: {  	_ =	shalt  }
0x53: {  	_ =	shalt  }
0x54: {  	_ =	shalt  }
0x55: {  	_ =	shalt  }
0x56: {  	_ =	shalt  }
0x57: {  	_ =	shalt  }
0x58: {  	_ =	shalt  }
0x59: {  	_ =	shalt  }
0x5a: {  	_ =	shalt  }
0x5b: {  	_ =	shalt  }
0x5c: {  	_ =	shalt  }
0x5d: {  	_ =	shalt  }
0x5e: {  	_ =	shalt  }
0x5f: {  	_ =	shalt  }
0x60: {  	_ =	shalt  }
0x61: {  	_ =	shalt  }
0x62: {  	_ =	shalt  }
0x63: {  	_ =	shalt  }
0x64: {  	_ =	shalt  }
0x65: {  	_ =	shalt  }
0x66: {  	_ =	shalt  }
0x67: {  	_ =	shalt  }
0x68: {  	_ =	shalt  }
0x69: {  	_ =	shalt  }
0x6a: {  	_ =	shalt  }
0x6b: {  	_ =	shalt  }
0x6c: {  	_ =	shalt  }
0x6d: {  	_ =	shalt  }
0x6e: {  	_ =	shalt  }
0x6f: {  	_ =	shalt  }
0x70: {  	_ =	shalt  }
0x71: {  	_ =	shalt  }
0x72: {  	_ =	shalt  }
0x73: {  	_ =	shalt  }
0x74: {  	_ =	shalt  }
0x75: {  	_ =	shalt  }
0x76: {  	_ =	shalt  }
0x77: {  	_ =	shalt  }
0x78: {  	_ =	shalt  }
0x79: {  	_ =	shalt  }
0x7a: {  	_ =	shalt  }
0x7b: {  	_ =	shalt  }
0x7c: {  	_ =	shalt  }
0x7d: {  	_ =	shalt  }
0x7e: {  	_ =	shalt  }
0x7f: {  	_ =	shalt  }
0x80: {  	_ =	shalt  }
0x81: {  	_ =	shalt  }
0x82: {  	_ =	shalt  }
0x83: {  	_ =	shalt  }
0x84: {  	_ =	shalt  }
0x85: {  	_ =	shalt  }
0x86: {  	_ =	shalt  }
0x87: {  	_ =	shalt  }
.Lfunc_end0:
.L_simem_size_0:
called_computation_lowered:
.L_overlay_start_0:
0x88: {  	s2 =	sld [smem:$0x3FD9]  }
0x89: {  	s3 =	sld [smem:$0x3FFE];
	_ =	sdelay $0x1  }
0x8a: {  	s1 =	srdreg.scid  }
0x8b: {  	s0 =	sand.u32 $0x1, s1  }
0x8c: {  	s18 =	sshll.u32 s0, $0xA;
	s2 =	sadd.s32 s3, s2  }
0x8d: {  	s2 =	sadd.s32 s2, s18  }
0x8e: {  	[smem:$0x3FC4] =	sst s2  }
0x8f: {  	_ = 	snop  }
0x90: {  	s2 =	sld [smem:$0x3FC9]  }
0x91: {  	s19 =	sld [smem:$0x3FC8]  }
0x92: {  	s4 =	sld [smem:$0x3FC7]  }
0x93: {  	s5 =	sld [smem:$0x3FC6]  }
0x94: {  	s6 =	sld [smem:$0x3FD0];
	(tm) =	ssettm $0x1  }
0x95: {  	s7 =	sld [smem:$0x3FFB];
	_ =	sdelay $0x3  }
0x96: {  	_ =	strace s7  }
0x97: {  	s7 =	sld [smem:$0x3FFC];
	_ =	sdelay $0x3  }
0x98: {  	_ =	strace s7  }
0x99: {  	s7 =	sld [smem:$0x3FFD];
	_ =	sdelay $0x3  }
0x9a: {  	_ =	strace s7  }
0x9b: {  	_ =	strace $0x8FFFFFFF  }
0x9c: {  	s20 =	sld [smem:$0x3FDB];
	_ =	sdelay $0x1  }
0x9d: {  	s8 =	simm.s32 $_scs_section_size  }
0x9e: {  	s9 =	simm.s32 $_size__tile_overlayer_lowered;
	s10 =	simm.s32 $_tile_overlayer_lowered  }
0x9f: {  	s23 =	simm.s32 $0x1BFF;
	s22 =	sshll.u32 s10, $0x1;
	s7 =	sadd.s32 s8, s20  }
0xa0: {  	s11 =	simm.s32 $0x0;
	s21 =	sshll.u32 s9, $0x1;
	s9 =	sadd.s32 s22, s7  }
0xa1: {  	[timem:s11], [sflag:s23] =	dma.local [hbm:s9], s21  }
0xa2: {  	_ =	swait.ge [sflag:s23], s21  }
0xa3: {  	s8 =	ssub.s32 $0x0, s21;
	[sflag:s23] =	ssyncset.done $0x0  }
0xa4: {  	[sflag:s23] =	ssyncadd.s32 s8;
	_ =	sdelay $0x1  }
0xa5: {  	s24 =	simm.s32 $0x1B8B  }
0xa6: {  	_ =	swait.ge [sflag:s24], $0x1  }
0xa7: {  	[sflag:s24] =	ssyncset.done $0x0  }
0xa8: {  	s25 =	simm.s32 $0x1B8E;
	[sflag:s24] =	ssyncadd.s32 $0xFFFFFFFF  }
0xa9: {  	s26 =	simm.s32 $execute0_lowered;
	[smem:$0x3FD2] =	sst s25  }
0xaa: {  	s8 =	sshll.u32 s26, $0x1;
	_ =	strace $0x80000046;
	[dreg:$0x1] =	wrdreg $0xFFFFFFFF  }
0xab: {  	s28 =	simm.s32 $_size_execute0_lowered;
	s7 =	sadd.s32 s7, s8;
	[dreg:$0x0] =	wrdreg $0x0  }
0xac: {  	s8 =	sshll.u32 s28, $0x1;
	[dreg:$0x2] =	wrdreg s7  }
0xad: {  	[dreg:$0x3] =	wrdreg s8  }
0xae: {  	[dreg:$0x4] =	wrdreg $0xC0  }
0xaf: {  	_ =	task [dreg:s11], $0x5FFFF  }
0xb0: {  	[dreg:$0x1] =	wrdreg $0xFFFFFFFF  }
0xb1: {  	[dreg:$0x0] =	wrdreg $0x60  }
0xb2: {  	[dreg:$0x2] =	wrdreg s2  }
0xb3: {  	[dreg:$0x3] =	wrdreg s19  }
0xb4: {  	[dreg:$0x4] =	wrdreg s4  }
0xb5: {  	[dreg:$0x5] =	wrdreg s5  }
0xb6: {  	[dreg:$0x6] =	wrdreg s6  }
0xb7: {  	[dreg:$0x7] =	wrdreg $0xBF000  }
0xb8: {  	[dreg:$0x8] =	wrdreg $0x9  }
0xb9: {  	_ =	task.clear_ibuf [dreg:s11], $0x9FFFF;
	_ =	strace $0x90000046  }
0xba: {  	s29 =	simm.s32 $0x9;
	_ =	strace $0x80000048  }
0xbb: {  	_ =	swait.ge [sflag:s29], $0x1  }
0xbc: {  	[sflag:s29] =	ssyncadd.s32 $0xFFFFFFFF  }
0xbd: {  	_ =	strace $0x90000048  }
0xbe: {  	_ =	sfence  }
0xbf: {  	s30 =	sld [smem:$0x0];
	_ =	sdelay $0x2  }
0xc0: {  	s31 =	sshll.u32 s1, $0xD;
	s1 =	sshrl.u32 s1, $0x2  }
0xc1: {  	s3 =	sand.u32 $0x4000, s31;
	s1 =	sadd.s32 s1, s30  }
0xc2: {  	s0 =	sor.u32 s3, s0;
	s1 =	sshll.u32 s1, $0x11  }
0xc3: {  	s0 =	sor.u32 s1, s0  }
0xc4: {  	s0 =	sadd.s32 $0x8F2B, s0  }
0xc5: {  	[sflag:s0] =	ssyncadd.remote.s32 $0x1  }
0xc6: {  	_ =	sfence.sel $0xFFFF  }
0xc7: {  	[dreg:$0x0] =	wrdreg $0xFFFFFFFF;
	(pc) =	sbr.abs _section_cstart, $3  }
0xc8: {  	[dreg:$0x1] =	wrdreg $0xFFFFFFFF  }
0xc9: {  	_ =	task.clear_ibuf [dreg:s11], $0x2FFFF;
	_ =	strace $0x9FFFFFFF  }
0xca: {  	(tm) =	ssettm $0x7FFFFFFF  }
0xcb: {  	_ =	shalt  }
tec
execute0_lowered:
.L_overlay_start_1:
0x0: {  	(tag) =	ssettag $0x1  }
0x1: {  	s0 =	rddreg [dreg:$0x0]  }
0x2: {  	s7 =	rddreg [dreg:$0x1]  }
0x3: {  	s8 =	rddreg [dreg:$0x2]  }
0x4: {  	s2 =	rddreg [dreg:$0x3]  }
0x5: {  	s9 =	rddreg [dreg:$0x4]  }
0x6: {  	s3 =	rddreg [dreg:$0x5]  }
0x7: {  	s4 =	srdreg.scid;
	s1 =	rddreg [dreg:$0x6]  }
0x8: {  	s5 =	simm.s32 $0x0;
	s16 =	simm.s32 $0x70;
	s17 =	simm.s32 $0x4F00  }
0x9: {  	s18 =	simm.s32 $0x8700;
	s19 =	simm.s32 $0x1;
	s20 =	simm.s32 $0x2  }
0xa: {  	s21 =	simm.s32 $0x4E00;
	s22 =	simm.s32 $0x4E70;
	s23 =	simm.s32 $0x0  }
0xb: {  	s6 =	sand.u32 $0x1, s4;
	s4 =	stileid.u32;
	[smem:$0x7FF] =	sst s5  }
0xc: {  	s10 =	sshll.u32 s6, $0x4;
	s11 =	ssub.s32 $0x2, s6;
	s12 =	smul.u32 $0x4F000, s4  }
0xd: {  	_ =	strace $0x80000047;
	s24 =	sshll.u32 s4, $0x7;
	s14 =	smul.u32 $0x13C000, s6  }
0xe: {  	s28 =	smul.u32 $0x13C00, s4;
	s29 =	sshll.u32 s4, $0x6;
	s10 =	sor.u32 s4, s10  }
0xf: {  	s13 =	sshrl.u32 s11, $0x1;
	s26 =	sand.u32 $0x380, s24;
	s10 =	sshrl.u32 s10, $0x3  }
0x10: {  	s6 =	sor.u32 $0x1C03, s29;
	s11 =	ssub.s32 s11, s13;
	s10 =	smul.u32 $0x13C00, s10  }
0x11: {  	s25 =	sshrl.u32 s12, $0x2;
	s30 =	sadd.s32 s28, s14;
	s12 =	simm.s32 $0x3  }
0x12: {  	s13 =	simm.s32 $0x80;
	s14 =	simm.s32 $0x400;
	s10 =	sor.u32 s26, s10  }
0x13: {  	s15 =	sadd.s32 s25, s3;
	s31 =	sshrl.u32 s30, $0x3;
	s10 =	sshrl.u32 s10, $0x3  }
0x14: {  	s9 =	sadd.s32 s9, s31;
	s7 =	sadd.s32 s7, s10;
	s8 =	sadd.s32 s8, s10  }
0x15: {  	s10 =	smax.u32 s11, $0x1;
	s11 =	sshrl.u32 s15, $0x3;
	s15 =	simm.s32 $0x2780  }
.LBB2_1:
0x16: {  	[spmem:s11], [sflag:s6] =	dma.local [hbm:s2], $0x2780  }
0x17: {  	_ =	swait.ge [sflag:s12], $0x2780  }
0x18: {  	[sflag:s12] =	ssyncset.done $0x0  }
0x19: {  	[sflag:s12] =	ssyncadd.s32 $0xFFFFD880  }
0x1a: {  	[tilespmem:s5], [sflag:$0x3] =	stream.strided.gather [hbm4b:s7+s13], $0x2780, s14, s13, $0x38;
	[tilespmem:$0x1FB00] =	vst v63  }
0x1b: {  	_ =	swait.ge [sflag:s12], $0x2780  }
0x1c: {  	[sflag:s12] =	ssyncset.done $0x0  }
0x1d: {  	[sflag:s12] =	ssyncadd.s32 $0xFFFFD880  }
0x1e: {  	[tilespmem:s15], [sflag:$0x3] =	stream.strided.gather [hbm4b:s8+s13], $0x2780, s14, s13, $0x38;
	[tilespmem:$0x1FB00] =	vst v63  }
0x1f: {  	_ =	swait.ge [sflag:s12], $0x2780  }
0x20: {  	[sflag:s12] =	ssyncset.done $0x0  }
0x21: {  	[sflag:s12] =	ssyncadd.s32 $0xFFFFD880  }
0x22: {  	[bflag:$0x0] =	sbarrier.arrive $0xFFFF  }
0x23: {  	[tilespmem:s17], [sflag:$0x1] =	stream.indirect.gather [hbm4b:s0+s16], $0x80, s5, s16, $0xb8;
	[tilespmem:$0x1FB00] =	vst v63  }
0x24: {  	_ = 	snop  }
0x25: {  	[tilespmem:s18], [sflag:$0x2] =	stream.indirect.gather [hbm4b:s0+s16], $0x80, s16, s16, $0xb8;
	[tilespmem:$0x1FB00] =	vst v63  }
0x26: {  	_ =	swait.ge [sflag:s19], $0x3800  }
0x27: {  	[sflag:s19] =	ssyncset.done $0x0  }
0x28: {  	s24 =	simm.s32 $0x2780;
	[sflag:s19] =	ssyncadd.s32 $0xFFFFC800  }
0x29: {  	[spmem:s3] =	stream.indirect.scatter.add.f32 [tilespmem:s17], [sflag:$0x3], $0x80, s24, s16, $0xb8;
	[tilespmem:$0x1FB00] =	vst v63  }
0x2a: {  	_ =	swait.ge [sflag:s12], $0x3800  }
0x2b: {  	[sflag:s12] =	ssyncset.done $0x0  }
0x2c: {  	s30 =	simm.s32 $0xE0;
	[sflag:s12] =	ssyncadd.s32 $0xFFFFC800  }
0x2d: {  	[tilespmem:s17], [sflag:$0x1] =	stream.indirect.gather [hbm4b:s0+s16], $0x80, s30, s16, $0xb8;
	[tilespmem:$0x1FB00] =	vst v63  }
0x2e: {  	_ =	swait.ge [sflag:s20], $0x3800  }
0x2f: {  	[sflag:s20] =	ssyncset.done $0x0  }
0x30: {  	s31 =	simm.s32 $0x27F0;
	[sflag:s20] =	ssyncadd.s32 $0xFFFFC800  }
0x31: {  	[spmem:s3] =	stream.indirect.scatter.add.f32 [tilespmem:s18], [sflag:$0x3], $0x80, s31, s16, $0xb8;
	[tilespmem:$0x1FB00] =	vst v63  }
0x32: {  	_ =	swait.ge [sflag:s12], $0x3800  }
0x33: {  	[sflag:s12] =	ssyncset.done $0x0  }
0x34: {  	s25 =	simm.s32 $0x150;
	s24 =	simm.s32 $0x380;
	[sflag:s12] =	ssyncadd.s32 $0xFFFFC800  }
.LBB2_2:
0x35: {  	[tilespmem:s18], [sflag:$0x2] =	stream.indirect.gather [hbm4b:s0+s16], $0x80, s25, s16, $0xb8;
	[tilespmem:$0x1FB00] =	vst v63  }
0x36: {  	s25 =	smov.u32 s24  }
0x37: {  	p0 =	sne.s32 s24, $0x9680;
	s24 =	sadd.s32 $0x380, s24;
	_ =	swait.ge [sflag:s19], $0x3800  }
0x38: {  	s25 =	sshra.s32 s25, $0x2;
	[sflag:s19] =	ssyncset.done $0x0  }
0x39: {  	s26 =	sadd.s32 $0x2780, s25;
	[sflag:s19] =	ssyncadd.s32 $0xFFFFC800  }
0x3a: {  	[spmem:s3] =	stream.indirect.scatter.add.f32 [tilespmem:s17], [sflag:$0x3], $0x80, s26, s16, $0xb8;
	[tilespmem:$0x1FB00] =	vst v63  }
0x3b: {  	_ =	swait.ge [sflag:s12], $0x3800  }
0x3c: {  	[sflag:s12] =	ssyncset.done $0x0  }
0x3d: {  	s26 =	sadd.s32 $0xE0, s25;
	[sflag:s12] =	ssyncadd.s32 $0xFFFFC800  }
0x3e: {  	[tilespmem:s17], [sflag:$0x1] =	stream.indirect.gather [hbm4b:s0+s16], $0x80, s26, s16, $0xb8;
	[tilespmem:$0x1FB00] =	vst v63  }
0x3f: {  	_ =	swait.ge [sflag:s20], $0x3800  }
0x40: {  	[sflag:s20] =	ssyncset.done $0x0  }
.Ltmp0:
0x41: {  	s26 =	sadd.s32 $0x27F0, s25;
	[sflag:s20] =	ssyncadd.s32 $0xFFFFC800;
	(pc) =	sbr.rel @p0 .LBB2_2-.Ltmp0, $4  }
0x42: {  	[spmem:s3] =	stream.indirect.scatter.add.f32 [tilespmem:s18], [sflag:$0x3], $0x80, s26, s16, $0xb8;
	[tilespmem:$0x1FB00] =	vst v63  }
0x43: {  	_ =	swait.ge [sflag:s12], $0x3800  }
0x44: {  	[sflag:s12] =	ssyncset.done $0x0  }
0x45: {  	s25 =	sadd.s32 $0x150, s25;
	[sflag:s12] =	ssyncadd.s32 $0xFFFFC800  }
0x46: {  	[tilespmem:s18], [sflag:$0x2] =	stream.indirect.gather [hbm4b:s0+s16], $0x80, s25, s16, $0xb8;
	[tilespmem:$0x1FB00] =	vst v63  }
0x47: {  	_ =	swait.ge [sflag:s19], $0x3800  }
0x48: {  	[sflag:s19] =	ssyncset.done $0x0  }
0x49: {  	[sflag:s19] =	ssyncadd.s32 $0xFFFFC800  }
0x4a: {  	[spmem:s3] =	stream.indirect.scatter.add.f32 [tilespmem:s17], [sflag:$0x3], $0x80, s21, s16, $0xb8;
	[tilespmem:$0x1FB00] =	vst v63  }
0x4b: {  	_ =	swait.ge [sflag:s12], $0x3800  }
0x4c: {  	[sflag:s12] =	ssyncset.done $0x0  }
0x4d: {  	[sflag:s12] =	ssyncadd.s32 $0xFFFFC800  }
0x4e: {  	_ =	swait.ge [sflag:s20], $0x3800  }
0x4f: {  	[sflag:s20] =	ssyncset.done $0x0  }
0x50: {  	[sflag:s20] =	ssyncadd.s32 $0xFFFFC800  }
0x51: {  	[spmem:s3] =	stream.indirect.scatter.add.f32 [tilespmem:s18], [sflag:$0x3], $0x80, s22, s16, $0xb8;
	[tilespmem:$0x1FB00] =	vst v63  }
0x52: {  	_ =	swait.ge [sflag:s12], $0x3800  }
0x53: {  	s23 =	sadd.s32 $0x1, s23;
	[sflag:s12] =	ssyncset.done $0x0  }
0x54: {  	p0 =	sne.s32 s23, s10;
	[sflag:s12] =	ssyncadd.s32 $0xFFFFC800  }
.Ltmp1:
0x55: {  	[bflag:$0x0] =	sbarrier.arrive $0xFFFF;
	(pc) =	sbr.rel @p0 .LBB2_1-.Ltmp1, $4  }
0x56: {  	[hbm:s9], [sflag:s6] =	dma.local [spmem:s11], $0x2780  }
0x57: {  	_ =	swait.ge [sflag:s12], $0x2780  }
0x58: {  	[sflag:s12] =	ssyncset.done $0x0  }
0x59: {  	[sflag:s12] =	ssyncadd.s32 $0xFFFFD880  }
0x5a: {  	_ =	sfence.sel $0x180000  }
0x5b: {  	[bflag:$0x0] =	sbarrier.arrive $0xFFFF  }
0x5c: {  	p0 =	sne.s32 s4, $0x0;
	_ =	strace $0x90000047  }
0x5d: {  	s0 =	sadd.s32 @!p0 $0x100000, s1;
	[bflag:$0x2] =	sbarrier.arrive $0xFFFF  }
0x5e: {  	[sflag:s0] =	ssyncadd.tile.s32 @!p0 $0x1;
	_ =	shalt  }
.Lfunc_end2:
_tile_overlayer_lowered:
.L_overlay_start_2:
0x5f: {  	(tag) =	ssettag $0x2  }
0x60: {  	s0 =	rddreg [dreg:$0x0];
	s2 =	stileid.u32  }
0x61: {  	s1 =	rddreg [dreg:$0x1];
	p0 =	sne.s32 s2, $0x0  }
0x62: {  	s3 =	rddreg [dreg:$0x2];
	[bflag:$0x3] =	sbarrier.arrive $0xFFFF;
	s2 =	simm.s32 @!p0 $0x1C03  }
0x63: {  	[timem:s3], [sflag:s2] =	dma.local @!p0 [hbm:s0], s1  }
0x64: {  	s0 =	simm.s32 @!p0 $0x3  }
0x65: {  	_ =	swait.ge @!p0 [sflag:s0], s1  }
0x66: {  	s1 =	ssub.s32 @!p0 $0x0, s1;
	[sflag:s0] =	ssyncset.done @!p0 $0x0  }
0x67: {  	[sflag:s0] =	ssyncadd.s32 @!p0 s1  }
0x68: {  	[bflag:$0x3] =	sbarrier.arrive $0xFFFF  }
0x69: {  	_ =	shalt  }

</sc_bundles>
